<compile_context>
chip_gen: v7x
topology: tpu7x:2x2x1
jax: 0.10.2.dev20260603
libtpu: 0.0.44.dev20260713+nightly
codegen_flags: <defaults>
</compile_context>

<pallas_src>
import functools
import jax
import jax.numpy as jnp
from jax import lax
from jax.experimental import pallas as pl
from jax.experimental.pallas import tpu as pltpu
from jax.experimental.pallas import tpu_sc as plsc

_N = 65536
_D = 1024
_NW = 32
_G = 16
_ROWS_PER_W = _N // _NW
_GROUPS = _ROWS_PER_W // _G
_GW = _G * _D
_L = 16
_BLOCKS = _D // _L




def _sc_body(x_hbm, o_hbm, buf, obuf):
    last = jnp.full((_L,), _L - 1, dtype=jnp.int32)
    wid = lax.axis_index("s") * 2 + lax.axis_index("c")
    word0 = wid * (_ROWS_PER_W * _D)

    def group_body(g, _):
        base = word0 + g * _GW
        pltpu.sync_copy(x_hbm.at[pl.ds(base, _GW)], buf)

        def blk_body(cb, carries):
            col = cb * _L
            new = []
            for r in range(_G):
                off = r * _D + col
                v = buf[pl.ds(off, _L)]
                s = plsc.cumsum(v) + carries[r]
                obuf[pl.ds(off, _L)] = s
                new.append(jnp.take(s, last))
            return tuple(new)

        zero = jnp.zeros((_L,), jnp.float32)
        lax.fori_loop(0, _BLOCKS, blk_body, (zero,) * _G)
        pltpu.sync_copy(obuf, o_hbm.at[pl.ds(base, _GW)])
        return 0

    lax.fori_loop(0, _GROUPS, group_body, 0)


@functools.partial(
    pl.kernel,
    out_type=jax.ShapeDtypeStruct((_N * _D,), jnp.float32),
    mesh=plsc.VectorSubcoreMesh(
        core_axis_name="c", subcore_axis_name="s", num_cores=2, num_subcores=16
    ),
    scratch_types=[pltpu.VMEM((_GW,), jnp.float32), pltpu.VMEM((_GW,), jnp.float32)],
    compiler_params=pltpu.CompilerParams(needs_layout_passes=False),
)
def _sc_cumsum(x_hbm, o_hbm, buf, obuf):
    _sc_body(x_hbm, o_hbm, buf, obuf)


def kernel(x):
    n, d = x.shape
    return _sc_cumsum(x.reshape(-1)).reshape(n, d)

# --- scband reference (transcript-rebuilt; emitter-appended) ---
"""Pipeline reference for scband-model-new-23656679867202 (READ-ONLY COPY).

The authoritative reference and input builder live on the scoring server;
editing this copy changes nothing except your own understanding.
"""

import jax, jax.numpy as jnp
import numpy as np

def setup_inputs(seed: int = 0) -> dict:
    key = jax.random.key(seed)
    x = jax.random.normal(key, (65536, 1024), dtype=jnp.float32)
    return {"x": x}

def reference(x):
    # Faithful translation: cumulative sum along dim=1 (each row scanned independently)
    return jnp.cumsum(x, axis=1)

if __name__ == "__main__":
    import jax
    _d = setup_inputs()
    print(jax.jit(kernel)(*tuple(_d.values())))

</pallas_src>

<mosaic_0001>
#map = affine_map<(d0, d1) -> (0)>
module attributes {stable_mosaic.version = 14 : i64} {
  func.func @_sc_cumsum(%arg0: i32, %arg1: i32, %arg2: memref<67108864xf32, #tpu.memory_space<hbm>>, %arg3: memref<67108864xf32, #tpu.memory_space<hbm>>, %arg4: memref<16384xf32, #tpu.memory_space<vmem>>, %arg5: memref<16384xf32, #tpu.memory_space<vmem>>) attributes {dimension_semantics = [#tpu.dimension_semantics<core_parallel>, #tpu.dimension_semantics<subcore_parallel>], iteration_bounds = array<i64: 2, 16>, scalar_prefetch = 0 : i64, scratch_operands = 2 : i64, tpu.core_type = #tpu.core_type<sc_vector_subcore>, window_params = [{transform_indices = #map}, {transform_indices = #map}]} {
    %broadcast_in_dim3A = arith.constant 15 : i32
    %broadcast_in_dim3A_0 = vector.broadcast %broadcast_in_dim3A : i32 to vector<16xi32>
    %mul3A = arith.constant 2 : i32
    %mul3A_1 = arith.muli %arg1, %mul3A : i32
    %add3A = arith.addi %mul3A_1, %arg0 : i32
    %mul3A_2 = arith.constant 2097152 : i32
    %mul3A_3 = arith.muli %add3A, %mul3A_2 : i32
    %scan3A = arith.constant 0 : i32
    %scan3A_4 = arith.constant 0 : i32
    %scan3A_5 = arith.constant 128 : i32
    %scan3A_6 = arith.addi %scan3A_4, %scan3A_5 : i32
    %scan3A_7 = arith.constant 1 : i32
    %scan3A_8 = scf.for %scan3A_10 = %scan3A_4 to %scan3A_6 step %scan3A_7 iter_args(%scan3A_11 = %scan3A) -> (i32)  : i32 {
      %mul3A_12 = arith.constant 16384 : i32
      %mul3A_13 = arith.muli %scan3A_10, %mul3A_12 : i32
      %add3A_14 = arith.addi %mul3A_3, %mul3A_13 : i32
      "tpu.region"() ({
        %run_scoped3A = tpu.sem_alloc : memref<!tpu.dma_semaphore, #tpu.memory_space<semaphore_mem>>
        %dma_start3A = tpu.memref_slice %arg2[%add3A_14] : memref<67108864xf32, #tpu.memory_space<hbm>> -> memref<16384xf32, #tpu.memory_space<hbm>>
        %dma_start3A_24 = tpu.memref_slice %arg2[%add3A_14] : memref<67108864xf32, #tpu.memory_space<hbm>> -> memref<16384xf32, #tpu.memory_space<hbm>>
        tpu.enqueue_dma source(%dma_start3A_24 : memref<16384xf32, #tpu.memory_space<hbm>>) target(%arg4 : memref<16384xf32, #tpu.memory_space<vmem>>) target_semaphore(%run_scoped3A : memref<!tpu.dma_semaphore, #tpu.memory_space<semaphore_mem>>)
        %dma_wait3A = tpu.memref_slice %arg2[%add3A_14] : memref<67108864xf32, #tpu.memory_space<hbm>> -> memref<16384xf32, #tpu.memory_space<hbm>>
        %dma_wait3A_25 = tpu.memref_slice %arg2[%add3A_14] : memref<67108864xf32, #tpu.memory_space<hbm>> -> memref<16384xf32, #tpu.memory_space<hbm>>
        tpu.wait_dma2 semaphore(%run_scoped3A : memref<!tpu.dma_semaphore, #tpu.memory_space<semaphore_mem>>) src(%dma_wait3A_25 : memref<16384xf32, #tpu.memory_space<hbm>>) dst(%arg4 : memref<16384xf32, #tpu.memory_space<vmem>>)
        tpu.yield
      }) : () -> ()
      %broadcast_in_dim3A_15 = arith.constant 0.000000e+00 : f32
      %broadcast_in_dim3A_16 = vector.broadcast %broadcast_in_dim3A_15 : f32 to vector<16xf32>
      %scan3A_17 = arith.constant 0 : i32
      %scan3A_18 = arith.constant 64 : i32
      %scan3A_19 = arith.addi %scan3A_17, %scan3A_18 : i32
      %scan3A_20 = arith.constant 1 : i32
      %scan3A_21:16 = scf.for %scan3A_24 = %scan3A_17 to %scan3A_19 step %scan3A_20 iter_args(%scan3A_25 = %broadcast_in_dim3A_16, %scan3A_26 = %broadcast_in_dim3A_16, %scan3A_27 = %broadcast_in_dim3A_16, %scan3A_28 = %broadcast_in_dim3A_16, %scan3A_29 = %broadcast_in_dim3A_16, %scan3A_30 = %broadcast_in_dim3A_16, %scan3A_31 = %broadcast_in_dim3A_16, %scan3A_32 = %broadcast_in_dim3A_16, %scan3A_33 = %broadcast_in_dim3A_16, %scan3A_34 = %broadcast_in_dim3A_16, %scan3A_35 = %broadcast_in_dim3A_16, %scan3A_36 = %broadcast_in_dim3A_16, %scan3A_37 = %broadcast_in_dim3A_16, %scan3A_38 = %broadcast_in_dim3A_16, %scan3A_39 = %broadcast_in_dim3A_16, %scan3A_40 = %broadcast_in_dim3A_16) -> (vector<16xf32>, vector<16xf32>, vector<16xf32>, vector<16xf32>, vector<16xf32>, vector<16xf32>, vector<16xf32>, vector<16xf32>, vector<16xf32>, vector<16xf32>, vector<16xf32>, vector<16xf32>, vector<16xf32>, vector<16xf32>, vector<16xf32>, vector<16xf32>)  : i32 {
        %mul3A_41 = arith.constant 16 : i32
        %mul3A_42 = arith.muli %scan3A_24, %mul3A_41 : i32
        %add3A_43 = arith.constant 0 : i32
        %add3A_44 = arith.addi %add3A_43, %mul3A_42 : i32
        %get3A = arith.index_cast %add3A_44 : i32 to index
        %get3A_45 = tpu.vector_load %arg4[%get3A] {strides = array<i32>} : memref<16384xf32, #tpu.memory_space<vmem>>, vector<16xf32>,
        %broadcast_in_dim3A_46 = arith.constant true
        %broadcast_in_dim3A_47 = vector.broadcast %broadcast_in_dim3A_46 : i1 to vector<16xi1>
        %masked_cumsum3A = tpu.scan <sum>, %get3A_45 masked %broadcast_in_dim3A_47 : vector<16xf32>, vector<16xi1> -> vector<16xf32>
        %add3A_48 = arith.addf %masked_cumsum3A, %scan3A_25 : vector<16xf32>
        %swap3A = arith.index_cast %add3A_44 : i32 to index
        %swap3A_49 = tpu.vector_load %arg5[%swap3A] {strides = array<i32>} : memref<16384xf32, #tpu.memory_space<vmem>>, vector<16xf32>,
        tpu.vector_store %arg5[%swap3A], %add3A_48 {strides = array<i32>} : memref<16384xf32, #tpu.memory_space<vmem>>, vector<16xf32>,
        %lt3A = arith.constant 0 : i32
        %lt3A_50 = vector.broadcast %lt3A : i32 to vector<16xi32>
        %lt3A_51 = arith.cmpi slt, %broadcast_in_dim3A_0, %lt3A_50 : vector<16xi32>
        %add3A_52 = arith.constant 16 : i32
        %add3A_53 = vector.broadcast %add3A_52 : i32 to vector<16xi32>
        %add3A_54 = arith.addi %broadcast_in_dim3A_0, %add3A_53 : vector<16xi32>
        %select_n3A = arith.select %lt3A_51, %add3A_54, %broadcast_in_dim3A_0 : vector<16xi1>, vector<16xi32>
        %broadcast_in_dim3A_55 = vector.shape_cast %select_n3A : vector<16xi32> to vector<16x1xi32>
        %gather3A = vector.shape_cast %broadcast_in_dim3A_55 : vector<16x1xi32> to vector<16xi32>
        %gather3A_56 = tpu.dynamic_gather %add3A_48[%gather3A] in [0] : vector<16xf32>, vector<16xi32> -> vector<16xf32>
        %add3A_57 = arith.constant 1024 : i32
        %add3A_58 = arith.addi %add3A_57, %mul3A_42 : i32
        %get3A_59 = arith.index_cast %add3A_58 : i32 to index
        %get3A_60 = tpu.vector_load %arg4[%get3A_59] {strides = array<i32>} : memref<16384xf32, #tpu.memory_space<vmem>>, vector<16xf32>,
        %broadcast_in_dim3A_61 = arith.constant true
        %broadcast_in_dim3A_62 = vector.broadcast %broadcast_in_dim3A_61 : i1 to vector<16xi1>
        %masked_cumsum3A_63 = tpu.scan <sum>, %get3A_60 masked %broadcast_in_dim3A_62 : vector<16xf32>, vector<16xi1> -> vector<16xf32>
        %add3A_64 = arith.addf %masked_cumsum3A_63, %scan3A_26 : vector<16xf32>
        %swap3A_65 = arith.index_cast %add3A_58 : i32 to index
        %swap3A_66 = tpu.vector_load %arg5[%swap3A_65] {strides = array<i32>} : memref<16384xf32, #tpu.memory_space<vmem>>, vector<16xf32>,
        tpu.vector_store %arg5[%swap3A_65], %add3A_64 {strides = array<i32>} : memref<16384xf32, #tpu.memory_space<vmem>>, vector<16xf32>,
        %lt3A_67 = arith.constant 0 : i32
        %lt3A_68 = vector.broadcast %lt3A_67 : i32 to vector<16xi32>
        %lt3A_69 = arith.cmpi slt, %broadcast_in_dim3A_0, %lt3A_68 : vector<16xi32>
        %add3A_70 = arith.constant 16 : i32
        %add3A_71 = vector.broadcast %add3A_70 : i32 to vector<16xi32>
        %add3A_72 = arith.addi %broadcast_in_dim3A_0, %add3A_71 : vector<16xi32>
        %select_n3A_73 = arith.select %lt3A_69, %add3A_72, %broadcast_in_dim3A_0 : vector<16xi1>, vector<16xi32>
        %broadcast_in_dim3A_74 = vector.shape_cast %select_n3A_73 : vector<16xi32> to vector<16x1xi32>
        %gather3A_75 = vector.shape_cast %broadcast_in_dim3A_74 : vector<16x1xi32> to vector<16xi32>
        %gather3A_76 = tpu.dynamic_gather %add3A_64[%gather3A_75] in [0] : vector<16xf32>, vector<16xi32> -> vector<16xf32>
        %add3A_77 = arith.constant 2048 : i32
        %add3A_78 = arith.addi %add3A_77, %mul3A_42 : i32
        %get3A_79 = arith.index_cast %add3A_78 : i32 to index
        %get3A_80 = tpu.vector_load %arg4[%get3A_79] {strides = array<i32>} : memref<16384xf32, #tpu.memory_space<vmem>>, vector<16xf32>,
        %broadcast_in_dim3A_81 = arith.constant true
        %broadcast_in_dim3A_82 = vector.broadcast %broadcast_in_dim3A_81 : i1 to vector<16xi1>
        %masked_cumsum3A_83 = tpu.scan <sum>, %get3A_80 masked %broadcast_in_dim3A_82 : vector<16xf32>, vector<16xi1> -> vector<16xf32>
        %add3A_84 = arith.addf %masked_cumsum3A_83, %scan3A_27 : vector<16xf32>
        %swap3A_85 = arith.index_cast %add3A_78 : i32 to index
        %swap3A_86 = tpu.vector_load %arg5[%swap3A_85] {strides = array<i32>} : memref<16384xf32, #tpu.memory_space<vmem>>, vector<16xf32>,
        tpu.vector_store %arg5[%swap3A_85], %add3A_84 {strides = array<i32>} : memref<16384xf32, #tpu.memory_space<vmem>>, vector<16xf32>,
        %lt3A_87 = arith.constant 0 : i32
        %lt3A_88 = vector.broadcast %lt3A_87 : i32 to vector<16xi32>
        %lt3A_89 = arith.cmpi slt, %broadcast_in_dim3A_0, %lt3A_88 : vector<16xi32>
        %add3A_90 = arith.constant 16 : i32
        %add3A_91 = vector.broadcast %add3A_90 : i32 to vector<16xi32>
        %add3A_92 = arith.addi %broadcast_in_dim3A_0, %add3A_91 : vector<16xi32>
        %select_n3A_93 = arith.select %lt3A_89, %add3A_92, %broadcast_in_dim3A_0 : vector<16xi1>, vector<16xi32>
        %broadcast_in_dim3A_94 = vector.shape_cast %select_n3A_93 : vector<16xi32> to vector<16x1xi32>
        %gather3A_95 = vector.shape_cast %broadcast_in_dim3A_94 : vector<16x1xi32> to vector<16xi32>
        %gather3A_96 = tpu.dynamic_gather %add3A_84[%gather3A_95] in [0] : vector<16xf32>, vector<16xi32> -> vector<16xf32>
        %add3A_97 = arith.constant 3072 : i32
        %add3A_98 = arith.addi %add3A_97, %mul3A_42 : i32
        %get3A_99 = arith.index_cast %add3A_98 : i32 to index
        %get3A_100 = tpu.vector_load %arg4[%get3A_99] {strides = array<i32>} : memref<16384xf32, #tpu.memory_space<vmem>>, vector<16xf32>,
        %broadcast_in_dim3A_101 = arith.constant true
        %broadcast_in_dim3A_102 = vector.broadcast %broadcast_in_dim3A_101 : i1 to vector<16xi1>
        %masked_cumsum3A_103 = tpu.scan <sum>, %get3A_100 masked %broadcast_in_dim3A_102 : vector<16xf32>, vector<16xi1> -> vector<16xf32>
        %add3A_104 = arith.addf %masked_cumsum3A_103, %scan3A_28 : vector<16xf32>
        %swap3A_105 = arith.index_cast %add3A_98 : i32 to index
        %swap3A_106 = tpu.vector_load %arg5[%swap3A_105] {strides = array<i32>} : memref<16384xf32, #tpu.memory_space<vmem>>, vector<16xf32>,
        tpu.vector_store %arg5[%swap3A_105], %add3A_104 {strides = array<i32>} : memref<16384xf32, #tpu.memory_space<vmem>>, vector<16xf32>,
        %lt3A_107 = arith.constant 0 : i32
        %lt3A_108 = vector.broadcast %lt3A_107 : i32 to vector<16xi32>
        %lt3A_109 = arith.cmpi slt, %broadcast_in_dim3A_0, %lt3A_108 : vector<16xi32>
        %add3A_110 = arith.constant 16 : i32
        %add3A_111 = vector.broadcast %add3A_110 : i32 to vector<16xi32>
        %add3A_112 = arith.addi %broadcast_in_dim3A_0, %add3A_111 : vector<16xi32>
        %select_n3A_113 = arith.select %lt3A_109, %add3A_112, %broadcast_in_dim3A_0 : vector<16xi1>, vector<16xi32>
        %broadcast_in_dim3A_114 = vector.shape_cast %select_n3A_113 : vector<16xi32> to vector<16x1xi32>
        %gather3A_115 = vector.shape_cast %broadcast_in_dim3A_114 : vector<16x1xi32> to vector<16xi32>
        %gather3A_116 = tpu.dynamic_gather %add3A_104[%gather3A_115] in [0] : vector<16xf32>, vector<16xi32> -> vector<16xf32>
        %add3A_117 = arith.constant 4096 : i32
        %add3A_118 = arith.addi %add3A_117, %mul3A_42 : i32
        %get3A_119 = arith.index_cast %add3A_118 : i32 to index
        %get3A_120 = tpu.vector_load %arg4[%get3A_119] {strides = array<i32>} : memref<16384xf32, #tpu.memory_space<vmem>>, vector<16xf32>,
        %broadcast_in_dim3A_121 = arith.constant true
        %broadcast_in_dim3A_122 = vector.broadcast %broadcast_in_dim3A_121 : i1 to vector<16xi1>
        %masked_cumsum3A_123 = tpu.scan <sum>, %get3A_120 masked %broadcast_in_dim3A_122 : vector<16xf32>, vector<16xi1> -> vector<16xf32>
        %add3A_124 = arith.addf %masked_cumsum3A_123, %scan3A_29 : vector<16xf32>
        %swap3A_125 = arith.index_cast %add3A_118 : i32 to index
        %swap3A_126 = tpu.vector_load %arg5[%swap3A_125] {strides = array<i32>} : memref<16384xf32, #tpu.memory_space<vmem>>, vector<16xf32>,
        tpu.vector_store %arg5[%swap3A_125], %add3A_124 {strides = array<i32>} : memref<16384xf32, #tpu.memory_space<vmem>>, vector<16xf32>,
        %lt3A_127 = arith.constant 0 : i32
        %lt3A_128 = vector.broadcast %lt3A_127 : i32 to vector<16xi32>
        %lt3A_129 = arith.cmpi slt, %broadcast_in_dim3A_0, %lt3A_128 : vector<16xi32>
        %add3A_130 = arith.constant 16 : i32
        %add3A_131 = vector.broadcast %add3A_130 : i32 to vector<16xi32>
        %add3A_132 = arith.addi %broadcast_in_dim3A_0, %add3A_131 : vector<16xi32>
        %select_n3A_133 = arith.select %lt3A_129, %add3A_132, %broadcast_in_dim3A_0 : vector<16xi1>, vector<16xi32>
        %broadcast_in_dim3A_134 = vector.shape_cast %select_n3A_133 : vector<16xi32> to vector<16x1xi32>
        %gather3A_135 = vector.shape_cast %broadcast_in_dim3A_134 : vector<16x1xi32> to vector<16xi32>
        %gather3A_136 = tpu.dynamic_gather %add3A_124[%gather3A_135] in [0] : vector<16xf32>, vector<16xi32> -> vector<16xf32>
        %add3A_137 = arith.constant 5120 : i32
        %add3A_138 = arith.addi %add3A_137, %mul3A_42 : i32
        %get3A_139 = arith.index_cast %add3A_138 : i32 to index
        %get3A_140 = tpu.vector_load %arg4[%get3A_139] {strides = array<i32>} : memref<16384xf32, #tpu.memory_space<vmem>>, vector<16xf32>,
        %broadcast_in_dim3A_141 = arith.constant true
        %broadcast_in_dim3A_142 = vector.broadcast %broadcast_in_dim3A_141 : i1 to vector<16xi1>
        %masked_cumsum3A_143 = tpu.scan <sum>, %get3A_140 masked %broadcast_in_dim3A_142 : vector<16xf32>, vector<16xi1> -> vector<16xf32>
        %add3A_144 = arith.addf %masked_cumsum3A_143, %scan3A_30 : vector<16xf32>
        %swap3A_145 = arith.index_cast %add3A_138 : i32 to index
        %swap3A_146 = tpu.vector_load %arg5[%swap3A_145] {strides = array<i32>} : memref<16384xf32, #tpu.memory_space<vmem>>, vector<16xf32>,
        tpu.vector_store %arg5[%swap3A_145], %add3A_144 {strides = array<i32>} : memref<16384xf32, #tpu.memory_space<vmem>>, vector<16xf32>,
        %lt3A_147 = arith.constant 0 : i32
        %lt3A_148 = vector.broadcast %lt3A_147 : i32 to vector<16xi32>
        %lt3A_149 = arith.cmpi slt, %broadcast_in_dim3A_0, %lt3A_148 : vector<16xi32>
        %add3A_150 = arith.constant 16 : i32
        %add3A_151 = vector.broadcast %add3A_150 : i32 to vector<16xi32>
        %add3A_152 = arith.addi %broadcast_in_dim3A_0, %add3A_151 : vector<16xi32>
        %select_n3A_153 = arith.select %lt3A_149, %add3A_152, %broadcast_in_dim3A_0 : vector<16xi1>, vector<16xi32>
        %broadcast_in_dim3A_154 = vector.shape_cast %select_n3A_153 : vector<16xi32> to vector<16x1xi32>
        %gather3A_155 = vector.shape_cast %broadcast_in_dim3A_154 : vector<16x1xi32> to vector<16xi32>
        %gather3A_156 = tpu.dynamic_gather %add3A_144[%gather3A_155] in [0] : vector<16xf32>, vector<16xi32> -> vector<16xf32>
        %add3A_157 = arith.constant 6144 : i32
        %add3A_158 = arith.addi %add3A_157, %mul3A_42 : i32
        %get3A_159 = arith.index_cast %add3A_158 : i32 to index
        %get3A_160 = tpu.vector_load %arg4[%get3A_159] {strides = array<i32>} : memref<16384xf32, #tpu.memory_space<vmem>>, vector<16xf32>,
        %broadcast_in_dim3A_161 = arith.constant true
        %broadcast_in_dim3A_162 = vector.broadcast %broadcast_in_dim3A_161 : i1 to vector<16xi1>
        %masked_cumsum3A_163 = tpu.scan <sum>, %get3A_160 masked %broadcast_in_dim3A_162 : vector<16xf32>, vector<16xi1> -> vector<16xf32>
        %add3A_164 = arith.addf %masked_cumsum3A_163, %scan3A_31 : vector<16xf32>
        %swap3A_165 = arith.index_cast %add3A_158 : i32 to index
        %swap3A_166 = tpu.vector_load %arg5[%swap3A_165] {strides = array<i32>} : memref<16384xf32, #tpu.memory_space<vmem>>, vector<16xf32>,
        tpu.vector_store %arg5[%swap3A_165], %add3A_164 {strides = array<i32>} : memref<16384xf32, #tpu.memory_space<vmem>>, vector<16xf32>,
        %lt3A_167 = arith.constant 0 : i32
        %lt3A_168 = vector.broadcast %lt3A_167 : i32 to vector<16xi32>
        %lt3A_169 = arith.cmpi slt, %broadcast_in_dim3A_0, %lt3A_168 : vector<16xi32>
        %add3A_170 = arith.constant 16 : i32
        %add3A_171 = vector.broadcast %add3A_170 : i32 to vector<16xi32>
        %add3A_172 = arith.addi %broadcast_in_dim3A_0, %add3A_171 : vector<16xi32>
        %select_n3A_173 = arith.select %lt3A_169, %add3A_172, %broadcast_in_dim3A_0 : vector<16xi1>, vector<16xi32>
        %broadcast_in_dim3A_174 = vector.shape_cast %select_n3A_173 : vector<16xi32> to vector<16x1xi32>
        %gather3A_175 = vector.shape_cast %broadcast_in_dim3A_174 : vector<16x1xi32> to vector<16xi32>
        %gather3A_176 = tpu.dynamic_gather %add3A_164[%gather3A_175] in [0] : vector<16xf32>, vector<16xi32> -> vector<16xf32>
        %add3A_177 = arith.constant 7168 : i32
        %add3A_178 = arith.addi %add3A_177, %mul3A_42 : i32
        %get3A_179 = arith.index_cast %add3A_178 : i32 to index
        %get3A_180 = tpu.vector_load %arg4[%get3A_179] {strides = array<i32>} : memref<16384xf32, #tpu.memory_space<vmem>>, vector<16xf32>,
        %broadcast_in_dim3A_181 = arith.constant true
        %broadcast_in_dim3A_182 = vector.broadcast %broadcast_in_dim3A_181 : i1 to vector<16xi1>
        %masked_cumsum3A_183 = tpu.scan <sum>, %get3A_180 masked %broadcast_in_dim3A_182 : vector<16xf32>, vector<16xi1> -> vector<16xf32>
        %add3A_184 = arith.addf %masked_cumsum3A_183, %scan3A_32 : vector<16xf32>
        %swap3A_185 = arith.index_cast %add3A_178 : i32 to index
        %swap3A_186 = tpu.vector_load %arg5[%swap3A_185] {strides = array<i32>} : memref<16384xf32, #tpu.memory_space<vmem>>, vector<16xf32>,
        tpu.vector_store %arg5[%swap3A_185], %add3A_184 {strides = array<i32>} : memref<16384xf32, #tpu.memory_space<vmem>>, vector<16xf32>,
        %lt3A_187 = arith.constant 0 : i32
        %lt3A_188 = vector.broadcast %lt3A_187 : i32 to vector<16xi32>
        %lt3A_189 = arith.cmpi slt, %broadcast_in_dim3A_0, %lt3A_188 : vector<16xi32>
        %add3A_190 = arith.constant 16 : i32
        %add3A_191 = vector.broadcast %add3A_190 : i32 to vector<16xi32>
        %add3A_192 = arith.addi %broadcast_in_dim3A_0, %add3A_191 : vector<16xi32>
        %select_n3A_193 = arith.select %lt3A_189, %add3A_192, %broadcast_in_dim3A_0 : vector<16xi1>, vector<16xi32>
        %broadcast_in_dim3A_194 = vector.shape_cast %select_n3A_193 : vector<16xi32> to vector<16x1xi32>
        %gather3A_195 = vector.shape_cast %broadcast_in_dim3A_194 : vector<16x1xi32> to vector<16xi32>
        %gather3A_196 = tpu.dynamic_gather %add3A_184[%gather3A_195] in [0] : vector<16xf32>, vector<16xi32> -> vector<16xf32>
        %add3A_197 = arith.constant 8192 : i32
        %add3A_198 = arith.addi %add3A_197, %mul3A_42 : i32
        %get3A_199 = arith.index_cast %add3A_198 : i32 to index
        %get3A_200 = tpu.vector_load %arg4[%get3A_199] {strides = array<i32>} : memref<16384xf32, #tpu.memory_space<vmem>>, vector<16xf32>,
        %broadcast_in_dim3A_201 = arith.constant true
        %broadcast_in_dim3A_202 = vector.broadcast %broadcast_in_dim3A_201 : i1 to vector<16xi1>
        %masked_cumsum3A_203 = tpu.scan <sum>, %get3A_200 masked %broadcast_in_dim3A_202 : vector<16xf32>, vector<16xi1> -> vector<16xf32>
        %add3A_204 = arith.addf %masked_cumsum3A_203, %scan3A_33 : vector<16xf32>
        %swap3A_205 = arith.index_cast %add3A_198 : i32 to index
        %swap3A_206 = tpu.vector_load %arg5[%swap3A_205] {strides = array<i32>} : memref<16384xf32, #tpu.memory_space<vmem>>, vector<16xf32>,
        tpu.vector_store %arg5[%swap3A_205], %add3A_204 {strides = array<i32>} : memref<16384xf32, #tpu.memory_space<vmem>>, vector<16xf32>,
        %lt3A_207 = arith.constant 0 : i32
        %lt3A_208 = vector.broadcast %lt3A_207 : i32 to vector<16xi32>
        %lt3A_209 = arith.cmpi slt, %broadcast_in_dim3A_0, %lt3A_208 : vector<16xi32>
        %add3A_210 = arith.constant 16 : i32
        %add3A_211 = vector.broadcast %add3A_210 : i32 to vector<16xi32>
        %add3A_212 = arith.addi %broadcast_in_dim3A_0, %add3A_211 : vector<16xi32>
        %select_n3A_213 = arith.select %lt3A_209, %add3A_212, %broadcast_in_dim3A_0 : vector<16xi1>, vector<16xi32>
        %broadcast_in_dim3A_214 = vector.shape_cast %select_n3A_213 : vector<16xi32> to vector<16x1xi32>
        %gather3A_215 = vector.shape_cast %broadcast_in_dim3A_214 : vector<16x1xi32> to vector<16xi32>
        %gather3A_216 = tpu.dynamic_gather %add3A_204[%gather3A_215] in [0] : vector<16xf32>, vector<16xi32> -> vector<16xf32>
        %add3A_217 = arith.constant 9216 : i32
        %add3A_218 = arith.addi %add3A_217, %mul3A_42 : i32
        %get3A_219 = arith.index_cast %add3A_218 : i32 to index
        %get3A_220 = tpu.vector_load %arg4[%get3A_219] {strides = array<i32>} : memref<16384xf32, #tpu.memory_space<vmem>>, vector<16xf32>,
        %broadcast_in_dim3A_221 = arith.constant true
        %broadcast_in_dim3A_222 = vector.broadcast %broadcast_in_dim3A_221 : i1 to vector<16xi1>
        %masked_cumsum3A_223 = tpu.scan <sum>, %get3A_220 masked %broadcast_in_dim3A_222 : vector<16xf32>, vector<16xi1> -> vector<16xf32>
        %add3A_224 = arith.addf %masked_cumsum3A_223, %scan3A_34 : vector<16xf32>
        %swap3A_225 = arith.index_cast %add3A_218 : i32 to index
        %swap3A_226 = tpu.vector_load %arg5[%swap3A_225] {strides = array<i32>} : memref<16384xf32, #tpu.memory_space<vmem>>, vector<16xf32>,
        tpu.vector_store %arg5[%swap3A_225], %add3A_224 {strides = array<i32>} : memref<16384xf32, #tpu.memory_space<vmem>>, vector<16xf32>,
        %lt3A_227 = arith.constant 0 : i32
        %lt3A_228 = vector.broadcast %lt3A_227 : i32 to vector<16xi32>
        %lt3A_229 = arith.cmpi slt, %broadcast_in_dim3A_0, %lt3A_228 : vector<16xi32>
        %add3A_230 = arith.constant 16 : i32
        %add3A_231 = vector.broadcast %add3A_230 : i32 to vector<16xi32>
        %add3A_232 = arith.addi %broadcast_in_dim3A_0, %add3A_231 : vector<16xi32>
        %select_n3A_233 = arith.select %lt3A_229, %add3A_232, %broadcast_in_dim3A_0 : vector<16xi1>, vector<16xi32>
        %broadcast_in_dim3A_234 = vector.shape_cast %select_n3A_233 : vector<16xi32> to vector<16x1xi32>
        %gather3A_235 = vector.shape_cast %broadcast_in_dim3A_234 : vector<16x1xi32> to vector<16xi32>
        %gather3A_236 = tpu.dynamic_gather %add3A_224[%gather3A_235] in [0] : vector<16xf32>, vector<16xi32> -> vector<16xf32>
        %add3A_237 = arith.constant 10240 : i32
        %add3A_238 = arith.addi %add3A_237, %mul3A_42 : i32
        %get3A_239 = arith.index_cast %add3A_238 : i32 to index
        %get3A_240 = tpu.vector_load %arg4[%get3A_239] {strides = array<i32>} : memref<16384xf32, #tpu.memory_space<vmem>>, vector<16xf32>,
        %broadcast_in_dim3A_241 = arith.constant true
        %broadcast_in_dim3A_242 = vector.broadcast %broadcast_in_dim3A_241 : i1 to vector<16xi1>
        %masked_cumsum3A_243 = tpu.scan <sum>, %get3A_240 masked %broadcast_in_dim3A_242 : vector<16xf32>, vector<16xi1> -> vector<16xf32>
        %add3A_244 = arith.addf %masked_cumsum3A_243, %scan3A_35 : vector<16xf32>
        %swap3A_245 = arith.index_cast %add3A_238 : i32 to index
        %swap3A_246 = tpu.vector_load %arg5[%swap3A_245] {strides = array<i32>} : memref<16384xf32, #tpu.memory_space<vmem>>, vector<16xf32>,
        tpu.vector_store %arg5[%swap3A_245], %add3A_244 {strides = array<i32>} : memref<16384xf32, #tpu.memory_space<vmem>>, vector<16xf32>,
        %lt3A_247 = arith.constant 0 : i32
        %lt3A_248 = vector.broadcast %lt3A_247 : i32 to vector<16xi32>
        %lt3A_249 = arith.cmpi slt, %broadcast_in_dim3A_0, %lt3A_248 : vector<16xi32>
        %add3A_250 = arith.constant 16 : i32
        %add3A_251 = vector.broadcast %add3A_250 : i32 to vector<16xi32>
        %add3A_252 = arith.addi %broadcast_in_dim3A_0, %add3A_251 : vector<16xi32>
        %select_n3A_253 = arith.select %lt3A_249, %add3A_252, %broadcast_in_dim3A_0 : vector<16xi1>, vector<16xi32>
        %broadcast_in_dim3A_254 = vector.shape_cast %select_n3A_253 : vector<16xi32> to vector<16x1xi32>
        %gather3A_255 = vector.shape_cast %broadcast_in_dim3A_254 : vector<16x1xi32> to vector<16xi32>
        %gather3A_256 = tpu.dynamic_gather %add3A_244[%gather3A_255] in [0] : vector<16xf32>, vector<16xi32> -> vector<16xf32>
        %add3A_257 = arith.constant 11264 : i32
        %add3A_258 = arith.addi %add3A_257, %mul3A_42 : i32
        %get3A_259 = arith.index_cast %add3A_258 : i32 to index
        %get3A_260 = tpu.vector_load %arg4[%get3A_259] {strides = array<i32>} : memref<16384xf32, #tpu.memory_space<vmem>>, vector<16xf32>,
        %broadcast_in_dim3A_261 = arith.constant true
        %broadcast_in_dim3A_262 = vector.broadcast %broadcast_in_dim3A_261 : i1 to vector<16xi1>
        %masked_cumsum3A_263 = tpu.scan <sum>, %get3A_260 masked %broadcast_in_dim3A_262 : vector<16xf32>, vector<16xi1> -> vector<16xf32>
        %add3A_264 = arith.addf %masked_cumsum3A_263, %scan3A_36 : vector<16xf32>
        %swap3A_265 = arith.index_cast %add3A_258 : i32 to index
        %swap3A_266 = tpu.vector_load %arg5[%swap3A_265] {strides = array<i32>} : memref<16384xf32, #tpu.memory_space<vmem>>, vector<16xf32>,
        tpu.vector_store %arg5[%swap3A_265], %add3A_264 {strides = array<i32>} : memref<16384xf32, #tpu.memory_space<vmem>>, vector<16xf32>,
        %lt3A_267 = arith.constant 0 : i32
        %lt3A_268 = vector.broadcast %lt3A_267 : i32 to vector<16xi32>
        %lt3A_269 = arith.cmpi slt, %broadcast_in_dim3A_0, %lt3A_268 : vector<16xi32>
        %add3A_270 = arith.constant 16 : i32
        %add3A_271 = vector.broadcast %add3A_270 : i32 to vector<16xi32>
        %add3A_272 = arith.addi %broadcast_in_dim3A_0, %add3A_271 : vector<16xi32>
        %select_n3A_273 = arith.select %lt3A_269, %add3A_272, %broadcast_in_dim3A_0 : vector<16xi1>, vector<16xi32>
        %broadcast_in_dim3A_274 = vector.shape_cast %select_n3A_273 : vector<16xi32> to vector<16x1xi32>
        %gather3A_275 = vector.shape_cast %broadcast_in_dim3A_274 : vector<16x1xi32> to vector<16xi32>
        %gather3A_276 = tpu.dynamic_gather %add3A_264[%gather3A_275] in [0] : vector<16xf32>, vector<16xi32> -> vector<16xf32>
        %add3A_277 = arith.constant 12288 : i32
        %add3A_278 = arith.addi %add3A_277, %mul3A_42 : i32
        %get3A_279 = arith.index_cast %add3A_278 : i32 to index
        %get3A_280 = tpu.vector_load %arg4[%get3A_279] {strides = array<i32>} : memref<16384xf32, #tpu.memory_space<vmem>>, vector<16xf32>,
        %broadcast_in_dim3A_281 = arith.constant true
        %broadcast_in_dim3A_282 = vector.broadcast %broadcast_in_dim3A_281 : i1 to vector<16xi1>
        %masked_cumsum3A_283 = tpu.scan <sum>, %get3A_280 masked %broadcast_in_dim3A_282 : vector<16xf32>, vector<16xi1> -> vector<16xf32>
        %add3A_284 = arith.addf %masked_cumsum3A_283, %scan3A_37 : vector<16xf32>
        %swap3A_285 = arith.index_cast %add3A_278 : i32 to index
        %swap3A_286 = tpu.vector_load %arg5[%swap3A_285] {strides = array<i32>} : memref<16384xf32, #tpu.memory_space<vmem>>, vector<16xf32>,
        tpu.vector_store %arg5[%swap3A_285], %add3A_284 {strides = array<i32>} : memref<16384xf32, #tpu.memory_space<vmem>>, vector<16xf32>,
        %lt3A_287 = arith.constant 0 : i32
        %lt3A_288 = vector.broadcast %lt3A_287 : i32 to vector<16xi32>
        %lt3A_289 = arith.cmpi slt, %broadcast_in_dim3A_0, %lt3A_288 : vector<16xi32>
        %add3A_290 = arith.constant 16 : i32
        %add3A_291 = vector.broadcast %add3A_290 : i32 to vector<16xi32>
        %add3A_292 = arith.addi %broadcast_in_dim3A_0, %add3A_291 : vector<16xi32>
        %select_n3A_293 = arith.select %lt3A_289, %add3A_292, %broadcast_in_dim3A_0 : vector<16xi1>, vector<16xi32>
        %broadcast_in_dim3A_294 = vector.shape_cast %select_n3A_293 : vector<16xi32> to vector<16x1xi32>
        %gather3A_295 = vector.shape_cast %broadcast_in_dim3A_294 : vector<16x1xi32> to vector<16xi32>
        %gather3A_296 = tpu.dynamic_gather %add3A_284[%gather3A_295] in [0] : vector<16xf32>, vector<16xi32> -> vector<16xf32>
        %add3A_297 = arith.constant 13312 : i32
        %add3A_298 = arith.addi %add3A_297, %mul3A_42 : i32
        %get3A_299 = arith.index_cast %add3A_298 : i32 to index
        %get3A_300 = tpu.vector_load %arg4[%get3A_299] {strides = array<i32>} : memref<16384xf32, #tpu.memory_space<vmem>>, vector<16xf32>,
        %broadcast_in_dim3A_301 = arith.constant true
        %broadcast_in_dim3A_302 = vector.broadcast %broadcast_in_dim3A_301 : i1 to vector<16xi1>
        %masked_cumsum3A_303 = tpu.scan <sum>, %get3A_300 masked %broadcast_in_dim3A_302 : vector<16xf32>, vector<16xi1> -> vector<16xf32>
        %add3A_304 = arith.addf %masked_cumsum3A_303, %scan3A_38 : vector<16xf32>
        %swap3A_305 = arith.index_cast %add3A_298 : i32 to index
        %swap3A_306 = tpu.vector_load %arg5[%swap3A_305] {strides = array<i32>} : memref<16384xf32, #tpu.memory_space<vmem>>, vector<16xf32>,
        tpu.vector_store %arg5[%swap3A_305], %add3A_304 {strides = array<i32>} : memref<16384xf32, #tpu.memory_space<vmem>>, vector<16xf32>,
        %lt3A_307 = arith.constant 0 : i32
        %lt3A_308 = vector.broadcast %lt3A_307 : i32 to vector<16xi32>
        %lt3A_309 = arith.cmpi slt, %broadcast_in_dim3A_0, %lt3A_308 : vector<16xi32>
        %add3A_310 = arith.constant 16 : i32
        %add3A_311 = vector.broadcast %add3A_310 : i32 to vector<16xi32>
        %add3A_312 = arith.addi %broadcast_in_dim3A_0, %add3A_311 : vector<16xi32>
        %select_n3A_313 = arith.select %lt3A_309, %add3A_312, %broadcast_in_dim3A_0 : vector<16xi1>, vector<16xi32>
        %broadcast_in_dim3A_314 = vector.shape_cast %select_n3A_313 : vector<16xi32> to vector<16x1xi32>
        %gather3A_315 = vector.shape_cast %broadcast_in_dim3A_314 : vector<16x1xi32> to vector<16xi32>
        %gather3A_316 = tpu.dynamic_gather %add3A_304[%gather3A_315] in [0] : vector<16xf32>, vector<16xi32> -> vector<16xf32>
        %add3A_317 = arith.constant 14336 : i32
        %add3A_318 = arith.addi %add3A_317, %mul3A_42 : i32
        %get3A_319 = arith.index_cast %add3A_318 : i32 to index
        %get3A_320 = tpu.vector_load %arg4[%get3A_319] {strides = array<i32>} : memref<16384xf32, #tpu.memory_space<vmem>>, vector<16xf32>,
        %broadcast_in_dim3A_321 = arith.constant true
        %broadcast_in_dim3A_322 = vector.broadcast %broadcast_in_dim3A_321 : i1 to vector<16xi1>
        %masked_cumsum3A_323 = tpu.scan <sum>, %get3A_320 masked %broadcast_in_dim3A_322 : vector<16xf32>, vector<16xi1> -> vector<16xf32>
        %add3A_324 = arith.addf %masked_cumsum3A_323, %scan3A_39 : vector<16xf32>
        %swap3A_325 = arith.index_cast %add3A_318 : i32 to index
        %swap3A_326 = tpu.vector_load %arg5[%swap3A_325] {strides = array<i32>} : memref<16384xf32, #tpu.memory_space<vmem>>, vector<16xf32>,
        tpu.vector_store %arg5[%swap3A_325], %add3A_324 {strides = array<i32>} : memref<16384xf32, #tpu.memory_space<vmem>>, vector<16xf32>,
        %lt3A_327 = arith.constant 0 : i32
        %lt3A_328 = vector.broadcast %lt3A_327 : i32 to vector<16xi32>
        %lt3A_329 = arith.cmpi slt, %broadcast_in_dim3A_0, %lt3A_328 : vector<16xi32>
        %add3A_330 = arith.constant 16 : i32
        %add3A_331 = vector.broadcast %add3A_330 : i32 to vector<16xi32>
        %add3A_332 = arith.addi %broadcast_in_dim3A_0, %add3A_331 : vector<16xi32>
        %select_n3A_333 = arith.select %lt3A_329, %add3A_332, %broadcast_in_dim3A_0 : vector<16xi1>, vector<16xi32>
        %broadcast_in_dim3A_334 = vector.shape_cast %select_n3A_333 : vector<16xi32> to vector<16x1xi32>
        %gather3A_335 = vector.shape_cast %broadcast_in_dim3A_334 : vector<16x1xi32> to vector<16xi32>
        %gather3A_336 = tpu.dynamic_gather %add3A_324[%gather3A_335] in [0] : vector<16xf32>, vector<16xi32> -> vector<16xf32>
        %add3A_337 = arith.constant 15360 : i32
        %add3A_338 = arith.addi %add3A_337, %mul3A_42 : i32
        %get3A_339 = arith.index_cast %add3A_338 : i32 to index
        %get3A_340 = tpu.vector_load %arg4[%get3A_339] {strides = array<i32>} : memref<16384xf32, #tpu.memory_space<vmem>>, vector<16xf32>,
        %broadcast_in_dim3A_341 = arith.constant true
        %broadcast_in_dim3A_342 = vector.broadcast %broadcast_in_dim3A_341 : i1 to vector<16xi1>
        %masked_cumsum3A_343 = tpu.scan <sum>, %get3A_340 masked %broadcast_in_dim3A_342 : vector<16xf32>, vector<16xi1> -> vector<16xf32>
        %add3A_344 = arith.addf %masked_cumsum3A_343, %scan3A_40 : vector<16xf32>
        %swap3A_345 = arith.index_cast %add3A_338 : i32 to index
        %swap3A_346 = tpu.vector_load %arg5[%swap3A_345] {strides = array<i32>} : memref<16384xf32, #tpu.memory_space<vmem>>, vector<16xf32>,
        tpu.vector_store %arg5[%swap3A_345], %add3A_344 {strides = array<i32>} : memref<16384xf32, #tpu.memory_space<vmem>>, vector<16xf32>,
        %lt3A_347 = arith.constant 0 : i32
        %lt3A_348 = vector.broadcast %lt3A_347 : i32 to vector<16xi32>
        %lt3A_349 = arith.cmpi slt, %broadcast_in_dim3A_0, %lt3A_348 : vector<16xi32>
        %add3A_350 = arith.constant 16 : i32
        %add3A_351 = vector.broadcast %add3A_350 : i32 to vector<16xi32>
        %add3A_352 = arith.addi %broadcast_in_dim3A_0, %add3A_351 : vector<16xi32>
        %select_n3A_353 = arith.select %lt3A_349, %add3A_352, %broadcast_in_dim3A_0 : vector<16xi1>, vector<16xi32>
        %broadcast_in_dim3A_354 = vector.shape_cast %select_n3A_353 : vector<16xi32> to vector<16x1xi32>
        %gather3A_355 = vector.shape_cast %broadcast_in_dim3A_354 : vector<16x1xi32> to vector<16xi32>
        %gather3A_356 = tpu.dynamic_gather %add3A_344[%gather3A_355] in [0] : vector<16xf32>, vector<16xi32> -> vector<16xf32>
        scf.yield %gather3A_56, %gather3A_76, %gather3A_96, %gather3A_116, %gather3A_136, %gather3A_156, %gather3A_176, %gather3A_196, %gather3A_216, %gather3A_236, %gather3A_256, %gather3A_276, %gather3A_296, %gather3A_316, %gather3A_336, %gather3A_356 : vector<16xf32>, vector<16xf32>, vector<16xf32>, vector<16xf32>, vector<16xf32>, vector<16xf32>, vector<16xf32>, vector<16xf32>, vector<16xf32>, vector<16xf32>, vector<16xf32>, vector<16xf32>, vector<16xf32>, vector<16xf32>, vector<16xf32>, vector<16xf32>
      }
      %scan3A_22 = arith.constant 64 : i32
      "tpu.region"() ({
        %run_scoped3A = tpu.sem_alloc : memref<!tpu.dma_semaphore, #tpu.memory_space<semaphore_mem>>
        %dma_start3A = tpu.memref_slice %arg3[%add3A_14] : memref<67108864xf32, #tpu.memory_space<hbm>> -> memref<16384xf32, #tpu.memory_space<hbm>>
        %dma_start3A_24 = tpu.memref_slice %arg3[%add3A_14] : memref<67108864xf32, #tpu.memory_space<hbm>> -> memref<16384xf32, #tpu.memory_space<hbm>>
        tpu.enqueue_dma source(%arg5 : memref<16384xf32, #tpu.memory_space<vmem>>) target(%dma_start3A_24 : memref<16384xf32, #tpu.memory_space<hbm>>) target_semaphore(%run_scoped3A : memref<!tpu.dma_semaphore, #tpu.memory_space<semaphore_mem>>)
        %dma_wait3A = tpu.memref_slice %arg3[%add3A_14] : memref<67108864xf32, #tpu.memory_space<hbm>> -> memref<16384xf32, #tpu.memory_space<hbm>>
        %dma_wait3A_25 = tpu.memref_slice %arg3[%add3A_14] : memref<67108864xf32, #tpu.memory_space<hbm>> -> memref<16384xf32, #tpu.memory_space<hbm>>
        tpu.wait_dma2 semaphore(%run_scoped3A : memref<!tpu.dma_semaphore, #tpu.memory_space<semaphore_mem>>) src(%arg5 : memref<16384xf32, #tpu.memory_space<vmem>>) dst(%dma_wait3A_25 : memref<16384xf32, #tpu.memory_space<hbm>>)
        tpu.yield
      }) : () -> ()
      %scan3A_23 = arith.constant 0 : i32
      scf.yield %scan3A_23 : i32
    }
    %scan3A_9 = arith.constant 128 : i32
    return
  }
}

</mosaic_0001>

<sc_bundles>
// kernel: kernel.3.cloned.1.call-start
scs
__scs_entry_jumppad:
0x0: {  	(pc) =	sbr.rel $0x88, $3  }
0x1: {  	(tag) =	ssettag $0x0;
	lr =	simm.s32 $0x1  }
0x2: {  	[smem:$0x3FA0] =	sst lr;
	_ =	strace $0xD0000000  }
0x3: {  	_ = 	snop  }
0x4: {  	_ = 	snop  }
0x5: {  	_ = 	snop  }
0x6: {  	_ = 	snop  }
0x7: {  	_ = 	snop  }
__scs_overlays_trampoline_lowered:
0x8: {  	[smem:$0x3FAF] =	sst s0  }
0x9: {  	[smem:$0x3FB0] =	sst s1  }
0xa: {  	[smem:$0x3FB1] =	sst s2  }
0xb: {  	[smem:$0x3FB2] =	sst s3  }
0xc: {  	[smem:$0x3FB3] =	sst s4  }
0xd: {  	[smem:$0x3FB4] =	sst s5  }
0xe: {  	[smem:$0x3FB5] =	sst s6  }
0xf: {  	[smem:$0x3FB6] =	sst s7  }
0x10: {  	[smem:$0x3FB7] =	sst s8  }
0x11: {  	[smem:$0x3FB8] =	sst s9;
	s0 =	simm.s32 @!p0 $0x0  }
0x12: {  	s1 =	sld [smem:$0x3F9E];
	s0 =	simm.s32 @p0 $0x1  }
0x13: {  	[smem:$0x3FB9] =	sst s0;
	s0 =	simm.s32 @!p1 $0x0  }
0x14: {  	s2 =	sld [smem:$0x3F9D];
	s0 =	simm.s32 @p1 $0x1  }
0x15: {  	[smem:$0x3FBA] =	sst s0;
	s0 =	simm.s32 @!p2 $0x0  }
0x16: {  	s3 =	sld [smem:$0x3FDB];
	s0 =	simm.s32 @p2 $0x1  }
0x17: {  	s4 =	simm.s32 $0x1BF5;
	[smem:$0x3FBC] =	sst s0  }
0x18: {  	s0 =	sld [smem:$0x3F9F];
	_ =	swait.ge [sflag:s4], $0x0  }
0x19: {  	s7 =	sld [smem:$0x3FA0]  }
0x1a: {  	s8 =	sadd.s32 $0xFFFFE003, lr  }
0x1b: {  	s9 =	sadd.s32 $0xFFFFFEF7, lr;
	s5 =	simm.s32 $0xFFFFFFFF;
	p2 =	slt.u32 s8, $0xFFFFF086  }
0x1c: {  	p1 =	slt.u32 s9, $0xF7A;
	s5 =	simm.s32 @!p2 $0x0  }
0x1d: {  	s5 =	simm.s32 @p1 $0x1;
	p0 =	seq.s32 s7, s2  }
0x1e: {  	s7 =	smul.u32 @!p0 $0xF7A, s2;
	p2 =	seq.s32 @!p0 s5, $0x0  }
0x1f: {  	s9 =	smul.u32 $0xF7A, s1;
	s8 =	simm.s32 @!p0 $0x1BF5;
	p2 =	por !p2, p0  }
0x20: {  	[sflag:s8] =	ssyncset.s32 @!p0 $0xFFFFF086;
	s6 =	sadd.s32 @!p0 s3, s7;
	s7 =	simm.s32 @!p0 $0x108  }
0x21: {  	s3 =	sadd.s32 s3, s9;
	s6 =	sadd.s32 @!p0 $0x88, s6;
	s7 =	simm.s32 @p2 $0x1082  }
0x22: {  	[simem:s7], [sflag:s8] =	dma.local @!p0 [hbm:s6], $0xF7A  }
0x23: {  	s9 =	sor.u32 $0xD0000000, s2;
	s6 =	simm.s32 $0x108;
	_ =	swait.ge @!p0 [sflag:s8], $0x0  }
0x24: {  	s3 =	sadd.s32 $0x88, s3;
	s6 =	simm.s32 @!p1 $0x1082;
	[sflag:s4] =	ssyncset.s32 $0xFFFFF086  }
0x25: {  	[simem:s6], [sflag:s4] =	dma.local [hbm:s3], $0xF7A  }
0x26: {  	[smem:$0x3FA0] =	sst s1;
	(tag) =	ssettag s2;
	_ =	strace s9  }
0x27: {  	s1 =	sld [smem:$0x3FB0]  }
0x28: {  	s2 =	sld [smem:$0x3FB1]  }
0x29: {  	s4 =	sld [smem:$0x3FB3]  }
0x2a: {  	p0 =	seq.s32 s5, $0x0;
	s5 =	sld [smem:$0x3FB4]  }
0x2b: {  	s6 =	sld [smem:$0x3FB5]  }
0x2c: {  	s7 =	sld [smem:$0x3FB6]  }
0x2d: {  	s3 =	simm.s32 $0x108;
	s8 =	sld [smem:$0x3FB7]  }
0x2e: {  	s3 =	simm.s32 @!p0 $0x1082;
	s9 =	sld [smem:$0x3FB8]  }
0x2f: {  	lr =	sadd.s32 s0, s3;
	s0 =	sld [smem:$0x3FAF]  }
0x30: {  	s3 =	sld [smem:$0x3FB2]  }
0x31: {  	[smem:$0x3FBB] =	sst s10  }
0x32: {  	s10 =	sld [smem:$0x3FB9];
	_ =	sdelay $0x3  }
0x33: {  	p0 =	seq.s32 s10, $0x1;
	s10 =	sld [smem:$0x3FBB];
	_ =	sdelay $0x3  }
0x34: {  	[smem:$0x3FBB] =	sst s10  }
0x35: {  	s10 =	sld [smem:$0x3FBA];
	_ =	sdelay $0x3  }
0x36: {  	p1 =	seq.s32 s10, $0x1;
	s10 =	sld [smem:$0x3FBB];
	_ =	sdelay $0x3  }
0x37: {  	[smem:$0x3FBB] =	sst s10  }
0x38: {  	s10 =	sld [smem:$0x3FBC]  }
0x39: {  	_ = 	snop;
	(pc) =	sbr.ind lr, $3  }
0x3a: {  	_ = 	snop  }
0x3b: {  	_ = 	snop  }
0x3c: {  	p2 =	seq.s32 s10, $0x1;
	s10 =	sld [smem:$0x3FBB]  }
0x3d: {  	_ =	shalt  }
0x3e: {  	_ =	shalt  }
0x3f: {  	_ =	shalt  }
0x40: {  	_ =	shalt  }
0x41: {  	_ =	shalt  }
0x42: {  	_ =	shalt  }
0x43: {  	_ =	shalt  }
0x44: {  	_ =	shalt  }
0x45: {  	_ =	shalt  }
0x46: {  	_ =	shalt  }
0x47: {  	_ =	shalt  }
0x48: {  	_ =	shalt  }
0x49: {  	_ =	shalt  }
0x4a: {  	_ =	shalt  }
0x4b: {  	_ =	shalt  }
0x4c: {  	_ =	shalt  }
0x4d: {  	_ =	shalt  }
0x4e: {  	_ =	shalt  }
0x4f: {  	_ =	shalt  }
0x50: {  	_ =	shalt  }
0x51: {  	_ =	shalt  }
0x52: {  	_ =	shalt  }
0x53: {  	_ =	shalt  }
0x54: {  	_ =	shalt  }
0x55: {  	_ =	shalt  }
0x56: {  	_ =	shalt  }
0x57: {  	_ =	shalt  }
0x58: {  	_ =	shalt  }
0x59: {  	_ =	shalt  }
0x5a: {  	_ =	shalt  }
0x5b: {  	_ =	shalt  }
0x5c: {  	_ =	shalt  }
0x5d: {  	_ =	shalt  }
0x5e: {  	_ =	shalt  }
0x5f: {  	_ =	shalt  }
0x60: {  	_ =	shalt  }
0x61: {  	_ =	shalt  }
0x62: {  	_ =	shalt  }
0x63: {  	_ =	shalt  }
0x64: {  	_ =	shalt  }
0x65: {  	_ =	shalt  }
0x66: {  	_ =	shalt  }
0x67: {  	_ =	shalt  }
0x68: {  	_ =	shalt  }
0x69: {  	_ =	shalt  }
0x6a: {  	_ =	shalt  }
0x6b: {  	_ =	shalt  }
0x6c: {  	_ =	shalt  }
0x6d: {  	_ =	shalt  }
0x6e: {  	_ =	shalt  }
0x6f: {  	_ =	shalt  }
0x70: {  	_ =	shalt  }
0x71: {  	_ =	shalt  }
0x72: {  	_ =	shalt  }
0x73: {  	_ =	shalt  }
0x74: {  	_ =	shalt  }
0x75: {  	_ =	shalt  }
0x76: {  	_ =	shalt  }
0x77: {  	_ =	shalt  }
0x78: {  	_ =	shalt  }
0x79: {  	_ =	shalt  }
0x7a: {  	_ =	shalt  }
0x7b: {  	_ =	shalt  }
0x7c: {  	_ =	shalt  }
0x7d: {  	_ =	shalt  }
0x7e: {  	_ =	shalt  }
0x7f: {  	_ =	shalt  }
0x80: {  	_ =	shalt  }
0x81: {  	_ =	shalt  }
0x82: {  	_ =	shalt  }
0x83: {  	_ =	shalt  }
0x84: {  	_ =	shalt  }
0x85: {  	_ =	shalt  }
0x86: {  	_ =	shalt  }
0x87: {  	_ =	shalt  }
.Lfunc_end0:
.L_simem_size_0:
called_computation.1_lowered:
.L_overlay_start_0:
0x88: {  	s2 =	sld [smem:$0x3FD9]  }
0x89: {  	s3 =	sld [smem:$0x3FFE];
	_ =	sdelay $0x1  }
0x8a: {  	s1 =	srdreg.scid  }
0x8b: {  	s0 =	sand.u32 $0x1, s1  }
0x8c: {  	s17 =	sshll.u32 s0, $0xA;
	s2 =	sadd.s32 s3, s2  }
0x8d: {  	s2 =	sadd.s32 s2, s17  }
0x8e: {  	[smem:$0x3FC7] =	sst s2  }
0x8f: {  	_ = 	snop  }
0x90: {  	s2 =	sld [smem:$0x3FD0];
	(tm) =	ssettm $0x1  }
0x91: {  	s18 =	sld [smem:$0x3FFB];
	_ =	sdelay $0x3  }
0x92: {  	_ =	strace s18  }
0x93: {  	s3 =	sld [smem:$0x3FFC];
	_ =	sdelay $0x3  }
0x94: {  	_ =	strace s3  }
0x95: {  	s3 =	sld [smem:$0x3FFD];
	_ =	sdelay $0x3  }
0x96: {  	_ =	strace s3  }
0x97: {  	_ =	strace $0x8FFFFFFF  }
0x98: {  	s19 =	sld [smem:$0x3FDB];
	_ =	sdelay $0x1  }
0x99: {  	s4 =	simm.s32 $_scs_section_size  }
0x9a: {  	s5 =	simm.s32 $_size__tile_overlayer_lowered;
	s6 =	simm.s32 $_tile_overlayer_lowered  }
0x9b: {  	s22 =	simm.s32 $0x1BFF;
	s21 =	sshll.u32 s6, $0x1;
	s3 =	sadd.s32 s4, s19  }
0x9c: {  	s7 =	simm.s32 $0x0;
	s20 =	sshll.u32 s5, $0x1;
	s5 =	sadd.s32 s21, s3  }
0x9d: {  	[timem:s7], [sflag:s22] =	dma.local [hbm:s5], s20  }
0x9e: {  	_ =	swait.ge [sflag:s22], s20  }
0x9f: {  	s4 =	ssub.s32 $0x0, s20;
	[sflag:s22] =	ssyncset.done $0x0  }
0xa0: {  	[sflag:s22] =	ssyncadd.s32 s4;
	_ =	sdelay $0x1  }
0xa1: {  	s23 =	simm.s32 $0x1B8B  }
0xa2: {  	_ =	swait.ge [sflag:s23], $0x1  }
0xa3: {  	[sflag:s23] =	ssyncset.done $0x0  }
0xa4: {  	s25 =	simm.s32 $0x1B8E;
	s24 =	sld [smem:$0x3FFE];
	[sflag:s23] =	ssyncadd.s32 $0xFFFFFFFF  }
0xa5: {  	s26 =	simm.s32 $execute0_lowered;
	[smem:$0x3FD2] =	sst s25  }
0xa6: {  	s5 =	sshll.u32 s26, $0x1;
	_ =	strace $0x80000049;
	[dreg:$0x1] =	wrdreg $0xFFFFFFFF  }
0xa7: {  	s28 =	simm.s32 $_size_execute0_lowered;
	s3 =	sadd.s32 s3, s5;
	[dreg:$0x0] =	wrdreg $0x0  }
0xa8: {  	s5 =	sshll.u32 s28, $0x1;
	[dreg:$0x2] =	wrdreg s3  }
0xa9: {  	[dreg:$0x3] =	wrdreg s5  }
0xaa: {  	[dreg:$0x4] =	wrdreg $0xC0  }
0xab: {  	_ =	task [dreg:s7], $0x5FFFF  }
0xac: {  	[dreg:$0x1] =	wrdreg $0xFFFFFFFF  }
0xad: {  	[dreg:$0x0] =	wrdreg $0x60  }
0xae: {  	[dreg:$0x2] =	wrdreg s2  }
0xaf: {  	[dreg:$0x3] =	wrdreg s24  }
0xb0: {  	[dreg:$0x4] =	wrdreg $0x9  }
0xb1: {  	_ =	task.clear_ibuf [dreg:s7], $0x5FFFF;
	_ =	strace $0x90000049  }
0xb2: {  	s29 =	simm.s32 $0x9;
	_ =	strace $0x8000004B  }
0xb3: {  	_ =	swait.ge [sflag:s29], $0x1  }
0xb4: {  	[sflag:s29] =	ssyncadd.s32 $0xFFFFFFFF  }
0xb5: {  	_ =	strace $0x9000004B  }
0xb6: {  	_ =	sfence  }
0xb7: {  	s30 =	sld [smem:$0x0];
	_ =	sdelay $0x2  }
0xb8: {  	s31 =	sshll.u32 s1, $0xD;
	s1 =	sshrl.u32 s1, $0x2  }
0xb9: {  	s3 =	sand.u32 $0x4000, s31;
	s1 =	sadd.s32 s1, s30  }
0xba: {  	s0 =	sor.u32 s3, s0;
	s1 =	sshll.u32 s1, $0x11  }
0xbb: {  	s0 =	sor.u32 s1, s0  }
0xbc: {  	s0 =	sadd.s32 $0x8F2B, s0  }
0xbd: {  	[sflag:s0] =	ssyncadd.remote.s32 $0x1  }
0xbe: {  	_ =	sfence.sel $0xFFFF  }
0xbf: {  	[dreg:$0x0] =	wrdreg $0xFFFFFFFF;
	(pc) =	sbr.abs _section_cstart, $3  }
0xc0: {  	[dreg:$0x1] =	wrdreg $0xFFFFFFFF  }
0xc1: {  	_ =	task.clear_ibuf [dreg:s7], $0x2FFFF;
	_ =	strace $0x9FFFFFFF  }
0xc2: {  	(tm) =	ssettm $0x7FFFFFFF  }
0xc3: {  	_ =	shalt  }
tec
execute0_lowered:
.L_overlay_start_1:
0x0: {  	(tag) =	ssettag $0x1  }
0x1: {  	s1 =	rddreg [dreg:$0x0]  }
0x2: {  	s4 =	rddreg [dreg:$0x1]  }
0x3: {  	s3 =	srdreg.scid;
	s0 =	rddreg [dreg:$0x2];
	s2 =	simm.s32 $0x0  }
0x4: {  	s8 =	simm.s32 $0x4000;
	s9 =	simm.s32 $0x0;
	s5 =	sand.u32 $0x1, s3  }
0x5: {  	[smem:$0x7FF] =	sst s2;
	s3 =	stileid.u32;
	s6 =	ssub.s32 $0x2, s5  }
0x6: {  	s4 =	sadd.s32 $0x800, s4;
	_ =	strace $0x8000004A;
	s7 =	sshrl.u32 s6, $0x1  }
0x7: {  	s31 =	sshll.u32 s3, $0x13;
	s5 =	sshll.u32 s5, $0x12;
	s6 =	ssub.s32 s6, s7  }
0x8: {  	v0 =	vimm.s32 $0xF;
	s5 =	sor.u32 s5, s31;
	s7 =	simm.s32 $0x1;
	s6 =	smax.u32 s6, $0x1  }
.LBB2_1:
0x9: {  	s10 =	simm.s32 $0x0  }
.LBB2_2:
0xa: {  	s11 =	sshll.u32 s10, $0xB  }
0xb: {  	v1 =	vimm.f32 $0.0e+00;
	s11 =	sadd.s32 s5, s11  }
0xc: {  	v2 =	vimm.f32 $0.0e+00;
	v3 =	vimm.f32 $0.0e+00;
	v4 =	vimm.f32 $0.0e+00;
	s12 =	sadd.s32 s1, s11  }
0xd: {  	v5 =	vimm.f32 $0.0e+00;
	v6 =	vimm.f32 $0.0e+00;
	v7 =	vimm.f32 $0.0e+00;
	[tilespmem:s2], [sflag:$0x1] =	stream.linear.gather [hbm4b:s12+s2], $0x4000, $0x38;
	[tilespmem:$0x8000] =	vst v63  }
0xe: {  	v8 =	vimm.f32 $0.0e+00;
	v9 =	vimm.f32 $0.0e+00;
	v10 =	vimm.f32 $0.0e+00;
	_ =	swait.ge [sflag:s7], $0x4000  }
0xf: {  	v11 =	vimm.f32 $0.0e+00;
	v12 =	vimm.f32 $0.0e+00;
	v13 =	vimm.f32 $0.0e+00;
	[sflag:s7] =	ssyncset.done $0x0  }
0x10: {  	v14 =	vimm.f32 $0.0e+00;
	v15 =	vimm.f32 $0.0e+00;
	v16 =	vimm.f32 $0.0e+00;
	s12 =	simm.s32 $0xFFFFF000;
	[sflag:s7] =	ssyncadd.s32 $0xFFFFC000  }
.LBB2_3:
0x11: {  	s13 =	sshra.s32 s12, $0x2  }
0x12: {  	v17 =	vld [tilespmem:s13+$0x400]  }
0x13: {  	v18 =	vld [tilespmem:s13+$0x800]  }
0x14: {  	v19 =	vld [tilespmem:s13+$0xC00]  }
0x15: {  	v20 =	vld [tilespmem:s13+$0x1000]  }
0x16: {  	v21 =	vld [tilespmem:s13+$0x1400]  }
0x17: {  	(xrf2) =	vadd.scan.msk.f32 $0xffff, v17;
	v17 =	vld [tilespmem:s13+$0x1800]  }
0x18: {  	(xrf2) =	vadd.scan.msk.f32 $0xffff, v18;
	v18 =	vld [tilespmem:s13+$0x1C00]  }
0x19: {  	(xrf2) =	vadd.scan.msk.f32 $0xffff, v19;
	v19 =	vld [tilespmem:s13+$0x2000]  }
0x1a: {  	v59 =	vld [tilespmem:s13+$0x2400];
	(xrf2) =	vadd.scan.msk.f32 $0xffff, v20  }
0x1b: {  	v60 =	vld [tilespmem:s13+$0x2800];
	(xrf2) =	vadd.scan.msk.f32 $0xffff, v21  }
0x1c: {  	(xrf2) =	vadd.scan.msk.f32 $0xffff, v17;
	v17 =	vld [tilespmem:s13+$0x2C00]  }
0x1d: {  	(xrf2) =	vadd.scan.msk.f32 $0xffff, v18;
	v18 =	vld [tilespmem:s13+$0x3000]  }
0x1e: {  	(xrf2) =	vadd.scan.msk.f32 $0xffff, v19;
	v19 =	vld [tilespmem:s13+$0x3400]  }
0x1f: {  	v61 =	vld [tilespmem:s13+$0x3800];
	(xrf2) =	vadd.scan.msk.f32 $0xffff, v59  }
0x20: {  	v62 =	vld [tilespmem:s13+$0x3C00];
	(xrf2) =	vadd.scan.msk.f32 $0xffff, v60  }
0x21: {  	v22, _, _ =	vpop (xrf2);
	(xrf2) =	vadd.scan.msk.f32 $0xffff, v17;
	v17 =	vld [tilespmem:s13+$0x4000]  }
0x22: {  	v16 =	vadd.f32 v22, v16;
	v63, _, _ =	vpop (xrf2);
	(xrf2) =	vadd.scan.msk.f32 $0xffff, v18  }
0x23: {  	v15 =	vadd.f32 v63, v15;
	v18, _, _ =	vpop (xrf2);
	(xrf2) =	vadd.scan.msk.f32 $0xffff, v19  }
0x24: {  	v14 =	vadd.f32 v18, v14;
	v18, _, _ =	vpop (xrf2);
	(xrf2) =	vadd.scan.msk.f32 $0xffff, v61;
	[tilespmem:s13+$0x4400] =	vst v16  }
0x25: {  	v13 =	vadd.f32 v18, v13;
	v18, _, _ =	vpop (xrf2);
	(xrf2) =	vadd.scan.msk.f32 $0xffff, v62;
	[tilespmem:s13+$0x4800] =	vst v15  }
0x26: {  	[tilespmem:s13+$0x4C00] =	vst v14;
	v12 =	vadd.f32 v18, v12;
	v18, _, _ =	vpop (xrf2);
	(xrf2) =	vadd.scan.msk.f32 $0xffff, v17  }
0x27: {  	v17, _, _ =	vpop (xrf2);
	[tilespmem:s13+$0x5000] =	vst v13;
	v11 =	vadd.f32 v18, v11  }
0x28: {  	v18, _, _ =	vpop (xrf2);
	[tilespmem:s13+$0x5400] =	vst v12;
	v10 =	vadd.f32 v17, v10  }
0x29: {  	v17, _, _ =	vpop (xrf2);
	[tilespmem:s13+$0x5800] =	vst v11;
	v9 =	vadd.f32 v18, v9  }
0x2a: {  	v18, _, _ =	vpop (xrf2);
	[tilespmem:s13+$0x5C00] =	vst v10;
	v8 =	vadd.f32 v17, v8  }
0x2b: {  	v17, _, _ =	vpop (xrf2);
	[tilespmem:s13+$0x6000] =	vst v9;
	v7 =	vadd.f32 v18, v7  }
0x2c: {  	v16 =	vperm.xlane v16, v0;
	v15 =	vperm.xlane v15, v0;
	v18, _, _ =	vpop (xrf2);
	[tilespmem:s13+$0x6400] =	vst v8;
	v6 =	vadd.f32 v17, v6  }
0x2d: {  	v14 =	vperm.xlane v14, v0;
	v13 =	vperm.xlane v13, v0;
	v17, _, _ =	vpop (xrf2);
	[tilespmem:s13+$0x6800] =	vst v7;
	v5 =	vadd.f32 v18, v5  }
0x2e: {  	p0 =	sne.s32 s12, $0xFFFFFFC0;
	v12 =	vperm.xlane v12, v0;
	v11 =	vperm.xlane v11, v0;
	v18, _, _ =	vpop (xrf2);
	[tilespmem:s13+$0x6C00] =	vst v6;
	v4 =	vadd.f32 v17, v4  }
.Ltmp0:
0x2f: {  	v10 =	vperm.xlane v10, v0;
	v9 =	vperm.xlane v9, v0;
	v17, _, _ =	vpop (xrf2);
	v3 =	vadd.f32 v18, v3;
	[tilespmem:s13+$0x7000] =	vst v5;
	(pc) =	sbr.rel @p0 .LBB2_3-.Ltmp0, $4  }
0x30: {  	v8 =	vperm.xlane v8, v0;
	v7 =	vperm.xlane v7, v0;
	[tilespmem:s13+$0x7400] =	vst v4;
	v2 =	vadd.f32 v17, v2;
	v17, _, _ =	vpop (xrf2)  }
0x31: {  	v6 =	vperm.xlane v6, v0;
	v5 =	vperm.xlane v5, v0;
	[tilespmem:s13+$0x7800] =	vst v3;
	v1 =	vadd.f32 v17, v1  }
0x32: {  	v4 =	vperm.xlane v4, v0;
	v3 =	vperm.xlane v3, v0;
	[tilespmem:s13+$0x7C00] =	vst v2  }
0x33: {  	s12 =	sadd.s32 $0x40, s12;
	v2 =	vperm.xlane v2, v0;
	[tilespmem:s13+$0x8000] =	vst v1;
	v1 =	vperm.xlane v1, v0  }
0x34: {  	s10 =	sadd.s32 $0x1, s10  }
0x35: {  	p0 =	sne.s32 s10, $0x80  }
.Ltmp1:
0x36: {  	s11 =	sadd.s32 s4, s11;
	(pc) =	sbr.rel @p0 .LBB2_2-.Ltmp1, $4  }
0x37: {  	[hbm4b:s11+s2] =	stream.linear.scatter [tilespmem:s8], [sflag:$0x1], $0x4000, $0x38;
	[tilespmem:$0x8000] =	vst v63  }
0x38: {  	_ =	swait.ge [sflag:s7], $0x4000  }
0x39: {  	[sflag:s7] =	ssyncset.done $0x0  }
0x3a: {  	[sflag:s7] =	ssyncadd.s32 $0xFFFFC000  }
0x3b: {  	s9 =	sadd.s32 $0x1, s9  }
0x3c: {  	p0 =	sne.s32 s9, s6  }
.Ltmp2:
0x3d: {  	_ = 	snop;
	(pc) =	sbr.rel @p0 .LBB2_1-.Ltmp2, $1  }
0x3e: {  	_ =	sdelay $0x3  }
0x3f: {  	_ =	sfence.sel $0x180000  }
0x40: {  	[bflag:$0x0] =	sbarrier.arrive $0xFFFF  }
0x41: {  	p0 =	sne.s32 s3, $0x0;
	_ =	strace $0x9000004A  }
0x42: {  	s0 =	sadd.s32 @!p0 $0x100000, s0;
	[bflag:$0x2] =	sbarrier.arrive $0xFFFF  }
0x43: {  	[sflag:s0] =	ssyncadd.tile.s32 @!p0 $0x1;
	_ =	shalt  }
.Lfunc_end2:
_tile_overlayer_lowered:
.L_overlay_start_2:
0x44: {  	(tag) =	ssettag $0x2  }
0x45: {  	s0 =	rddreg [dreg:$0x0];
	s2 =	stileid.u32  }
0x46: {  	s1 =	rddreg [dreg:$0x1];
	p0 =	sne.s32 s2, $0x0  }
0x47: {  	s3 =	rddreg [dreg:$0x2];
	[bflag:$0x3] =	sbarrier.arrive $0xFFFF;
	s2 =	simm.s32 @!p0 $0x1C01  }
0x48: {  	[timem:s3], [sflag:s2] =	dma.local @!p0 [hbm:s0], s1  }
0x49: {  	s0 =	simm.s32 @!p0 $0x1  }
0x4a: {  	_ =	swait.ge @!p0 [sflag:s0], s1  }
0x4b: {  	s1 =	ssub.s32 @!p0 $0x0, s1;
	[sflag:s0] =	ssyncset.done @!p0 $0x0  }
0x4c: {  	[sflag:s0] =	ssyncadd.s32 @!p0 s1  }
0x4d: {  	[bflag:$0x3] =	sbarrier.arrive $0xFFFF  }
0x4e: {  	_ =	shalt  }

// kernel: sparse-core-data-format-call.cloned.1.call-start
scs
called_computation_lowered:
.L_overlay_start_0:
0x0: {  	s2 =	sld [smem:$0x3FD9]  }
0x1: {  	s3 =	sld [smem:$0x3FFE];
	_ =	sdelay $0x1  }
0x2: {  	s1 =	srdreg.scid  }
0x3: {  	s0 =	sand.u32 $0x1, s1  }
0x4: {  	s19 =	sshll.u32 s0, $0xA;
	s2 =	sadd.s32 s3, s2  }
0x5: {  	s2 =	sadd.s32 s2, s19  }
0x6: {  	[smem:$0x3FC7] =	sst s2  }
0x7: {  	_ = 	snop  }
0x8: {  	s2 =	sld [smem:$0x3FC9]  }
0x9: {  	s20 =	sld [smem:$0x3FD0];
	(tm) =	ssettm $0x1  }
0xa: {  	s4 =	sld [smem:$0x3FFB];
	_ =	sdelay $0x3  }
0xb: {  	_ =	strace s4  }
0xc: {  	s4 =	sld [smem:$0x3FFC];
	_ =	sdelay $0x3  }
0xd: {  	_ =	strace s4  }
0xe: {  	s4 =	sld [smem:$0x3FFD];
	_ =	sdelay $0x3  }
0xf: {  	_ =	strace s4  }
0x10: {  	_ =	strace $0x8FFFFFFF  }
0x11: {  	s21 =	sld [smem:$0x3FDB];
	_ =	sdelay $0x1  }
0x12: {  	s5 =	simm.s32 $_scs_section_size  }
0x13: {  	s6 =	simm.s32 $_size__tile_overlayer_lowered;
	s7 =	simm.s32 $_tile_overlayer_lowered  }
0x14: {  	s24 =	simm.s32 $0x1BFF;
	s23 =	sshll.u32 s7, $0x1;
	s4 =	sadd.s32 s5, s21  }
0x15: {  	s8 =	simm.s32 $0x0;
	s22 =	sshll.u32 s6, $0x1;
	s6 =	sadd.s32 s23, s4  }
0x16: {  	[timem:s8], [sflag:s24] =	dma.local [hbm:s6], s22  }
0x17: {  	_ =	swait.ge [sflag:s24], s22  }
0x18: {  	s5 =	ssub.s32 $0x0, s22;
	[sflag:s24] =	ssyncset.done $0x0  }
0x19: {  	[sflag:s24] =	ssyncadd.s32 s5;
	_ =	sdelay $0x1  }
0x1a: {  	s25 =	simm.s32 $0x1B8B  }
0x1b: {  	_ =	swait.ge [sflag:s25], $0x1  }
0x1c: {  	[sflag:s25] =	ssyncset.done $0x0  }
0x1d: {  	s26 =	simm.s32 $0x1B8E;
	[sflag:s25] =	ssyncadd.s32 $0xFFFFFFFF  }
0x1e: {  	s27 =	simm.s32 $execute0_lowered;
	[smem:$0x3FD2] =	sst s26  }
0x1f: {  	s5 =	sshll.u32 s27, $0x1;
	_ =	strace $0x80000046;
	[dreg:$0x1] =	wrdreg $0xFFFFFFFF  }
0x20: {  	s28 =	simm.s32 $_size_execute0_lowered;
	s4 =	sadd.s32 s4, s5;
	[dreg:$0x0] =	wrdreg $0x0  }
0x21: {  	s5 =	sshll.u32 s28, $0x1;
	[dreg:$0x2] =	wrdreg s4  }
0x22: {  	[dreg:$0x3] =	wrdreg s5  }
0x23: {  	[dreg:$0x4] =	wrdreg $0xC0  }
0x24: {  	_ =	task [dreg:s8], $0x5FFFF  }
0x25: {  	[dreg:$0x1] =	wrdreg $0xFFFFFFFF  }
0x26: {  	[dreg:$0x0] =	wrdreg $0x60  }
0x27: {  	[dreg:$0x2] =	wrdreg s2  }
0x28: {  	[dreg:$0x3] =	wrdreg s20  }
0x29: {  	[dreg:$0x4] =	wrdreg $0x9  }
0x2a: {  	_ =	task.clear_ibuf [dreg:s8], $0x5FFFF;
	_ =	strace $0x90000046  }
0x2b: {  	s29 =	simm.s32 $0x9;
	_ =	strace $0x80000048  }
0x2c: {  	_ =	swait.ge [sflag:s29], $0x1  }
0x2d: {  	[sflag:s29] =	ssyncadd.s32 $0xFFFFFFFF  }
0x2e: {  	_ =	strace $0x90000048  }
0x2f: {  	_ =	sfence  }
0x30: {  	s30 =	sld [smem:$0x0];
	_ =	sdelay $0x2  }
0x31: {  	s31 =	sshll.u32 s1, $0xD;
	s1 =	sshrl.u32 s1, $0x2  }
0x32: {  	s3 =	sand.u32 $0x4000, s31;
	s1 =	sadd.s32 s1, s30  }
0x33: {  	s0 =	sor.u32 s3, s0;
	s1 =	sshll.u32 s1, $0x11  }
0x34: {  	s0 =	sor.u32 s1, s0  }
0x35: {  	s0 =	sadd.s32 $0x8F2B, s0  }
0x36: {  	[sflag:s0] =	ssyncadd.remote.s32 $0x1  }
0x37: {  	_ =	sfence.sel $0xFFFF  }
0x38: {  	[dreg:$0x0] =	wrdreg $0xFFFFFFFF;
	(pc) =	sbr.abs _section_cstart, $3  }
0x39: {  	[dreg:$0x1] =	wrdreg $0xFFFFFFFF  }
0x3a: {  	_ =	task.clear_ibuf [dreg:s8], $0x2FFFF;
	_ =	strace $0x9FFFFFFF  }
0x3b: {  	(tm) =	ssettm $0x7FFFFFFF  }
tec
execute0_lowered:
.L_overlay_start_1:
0x0: {  	(tag) =	ssettag $0x1  }
0x1: {  	s0 =	srdreg.scid  }
0x2: {  	s1 =	sshll.u32 s0, $0x4  }
0x3: {  	s2 =	rddreg [dreg:$0x0];
	s0 =	stileid.u32;
	s1 =	sand.u32 $0x10, s1  }
0x4: {  	s4 =	rddreg [dreg:$0x1];
	s1 =	sor.u32 s0, s1  }
0x5: {  	s7 =	simm.s32 $0x1;
	s8 =	simm.s32 $0x2;
	s3 =	sshll.u32 s1, $0x1  }
0x6: {  	s9 =	simm.s32 $0x0;
	s12 =	simm.s32 $0x0;
	s6 =	ssub.s32 $0x2000, s3  }
.Ltmp0:
0x7: {  	s11 =	simm.s32 $0x0;
	s5 =	sand.u32 $0x3E, s6;
	(pc) =	sbr.rel .LBB1_1-.Ltmp0, $4  }
0x8: {  	s1 =	rddreg [dreg:$0x2];
	_ =	strace $0x80000047;
	p0 =	sne.s32 s5, $0x0  }
0x9: {  	s6 =	sshrl.u32 s6, $0x6;
	s5 =	simm.s32 $0x1;
	s7 =	simm.s32 @!p0 $0x0  }
0xa: {  	s10 =	smov.u32 s3;
	[sflag:s5] =	ssyncpa.u1 $0x0;
	s6 =	sadd.s32 s7, s6  }
0xb: {  	[sflag:s8] =	ssyncpa.u1 $0x0;
	s8 =	simm.s32 $0x0;
	s7 =	sadd.s32 $0x1, s6  }
.LBB1_9:
0xc: {  	s14 =	sadd.s32 $0x40, s10  }
0xd: {  	p1 =	sgt.s32 s14, $0x1FFF  }
0xe: {  	s14 =	smov.u32 @p1 s3;
	p1 =	sne.s32 s11, s7  }
.Ltmp1:
0xf: {  	p0 =	slt.u32 s11, $0x2;
	(pc) =	sbr.rel @!p1 .LBB1_10-.Ltmp1, $4  }
0x10: {  	s13 =	simm.s32 @!p0 $0x2  }
0x11: {  	s15 =	sadd.s32 $0x1, s11;
	_ =	swait.ge @!p0 [sflag:s13], $0x4000  }
0x12: {  	s12 =	smov.u32 s10;
	s9 =	sadd.s32 $0x4000, s9;
	[sflag:s13] =	ssyncset.done @!p0 $0x0  }
0x13: {  	s11 =	smov.u32 s15;
	s10 =	smov.u32 s14;
	[sflag:s13] =	ssyncadd.s32 @!p0 $0xFFFFC000  }
.LBB1_1:
0x14: {  	p0 =	sge.u32 s11, s6  }
0x15: {  	s13 =	sxor.u32 @!p0 $0xFFFFFFFF, s11  }
0x16: {  	s31 =	sadd.s32 $0xFFFFFFFF, s11;
	s14 =	sshll.u32 @!p0 s10, $0xA;
	s13 =	sshll.u32 @!p0 s13, $0xE  }
0x17: {  	s15 =	simm.s32 @!p0 $0x0;
	s14 =	sadd.s32 @!p0 s2, s14;
	s13 =	sand.u32 @!p0 $0x4000, s13  }
0x18: {  	[tilespmem:s13], [sflag:$0x1] =	stream.linear.gather @!p0 [hbm4b:s14+s15], $0x4000, $0x38;
	[tilespmem:$0x10000] =	vst v63  }
0x19: {  	p0 =	sge.u32 s31, s6  }
.Ltmp2:
0x1a: {  	_ = 	snop;
	(pc) =	sbr.rel @p0 .LBB1_9-.Ltmp2, $1  }
0x1b: {  	_ =	sdelay $0x3  }
0x1c: {  	s13 =	sshll.u32 s9, $0x2  }
0x1d: {  	_ =	swait.ge [sflag:s5], $0x4000;
	s14 =	sshll.u32 s11, $0xE;
	s16 =	simm.s32 $0x0  }
0x1e: {  	p1 =	por $0x1, $0x1;
	s13 =	sand.u32 $0x10000, s13;
	[sflag:s5] =	ssyncset.done $0x0  }
0x1f: {  	s14 =	sand.u32 $0x4000, s14;
	s15 =	sshrl.u32 s13, $0x2;
	[sflag:s5] =	ssyncadd.s32 $0xFFFFC000  }
0x20: {  	s13 =	sor.u32 $0x8000, s14;
	s14 =	sadd.s32 $0x8040, s15;
	s15 =	sadd.s32 $0x40, s15  }
.LBB1_3:
0x21: {  	s16 =	sshll.u32 s16, $0x2  }
0x22: {  	p0 =	por p1, p1;
	s17 =	sshra.s32 s16, $0x2  }
0x23: {  	s18 =	simm.s32 $0x0;
	s16 =	sadd.s32 s17, s14;
	s17 =	sadd.s32 s17, s15  }
.LBB1_4:
0x24: {  	v0 =	vmov s17;
	_ =	sdelay $0x3  }
0x25: {  	s20 =	simm.s32 $0x0  }
0x26: {  	v6 =	vld.idx.msk [tilespmem:v0+s20+$0x30 ss:$0x1], $0xffff  }
0x27: {  	v7 =	vld.idx.msk [tilespmem:v0+s20+$0xFFFFFFC0 ss:$0x1], $0xffff  }
0x28: {  	v5 =	vld.idx.msk [tilespmem:v0+s20+$0xFFFFFFD0 ss:$0x1], $0xffff  }
0x29: {  	v4 =	vld.idx.msk [tilespmem:v0+s20+$0xFFFFFFE0 ss:$0x1], $0xffff  }
0x2a: {  	v3 =	vld.idx.msk [tilespmem:v0+s20+$0xFFFFFFF0 ss:$0x1], $0xffff  }
0x2b: {  	v1 =	vld.idx.msk [tilespmem:v0+s20+$0x0 ss:$0x1], $0xffff  }
0x2c: {  	v2 =	vld.idx.msk [tilespmem:v0+s20+$0x10 ss:$0x1], $0xffff;
	[tilespmem:s16+$0x30] =	vst v6  }
0x2d: {  	s19 =	simm.s32 $0x80;
	s21 =	simm.s32 $0x400;
	[tilespmem:s16+$0xFFFFFFC0] =	vst v7;
	v6 =	vld.idx.msk [tilespmem:v0+s20+$0x20 ss:$0x1], $0xffff;
	s20 =	smov.u32 s16  }
.LBB1_5:
0x2e: {  	p1 =	sne.s32 s21, $0xE00;
	v7 =	vld.idx.msk [tilespmem:v0+s19+$0x30 ss:$0x1], $0xffff;
	[tilespmem:s20+$0xFFFFFFD0] =	vst v5  }
0x2f: {  	v8 =	vld.idx.msk [tilespmem:v0+s19+$0xFFFFFFC0 ss:$0x1], $0xffff;
	[tilespmem:s20+$0xFFFFFFE0] =	vst v4  }
0x30: {  	v5 =	vld.idx.msk [tilespmem:v0+s19+$0xFFFFFFD0 ss:$0x1], $0xffff;
	[tilespmem:s20+$0xFFFFFFF0] =	vst v3  }
.Ltmp3:
0x31: {  	v4 =	vld.idx.msk [tilespmem:v0+s19+$0xFFFFFFE0 ss:$0x1], $0xffff;
	[tilespmem:s20+$0x0] =	vst v1;
	(pc) =	sbr.rel @p1 .LBB1_5-.Ltmp3, $4  }
0x32: {  	v3 =	vld.idx.msk [tilespmem:v0+s19+$0xFFFFFFF0 ss:$0x1], $0xffff;
	[tilespmem:s20+$0x10] =	vst v2  }
0x33: {  	v1 =	vld.idx.msk [tilespmem:v0+s19+$0x0 ss:$0x1], $0xffff;
	[tilespmem:s20+$0x20] =	vst v6;
	s20 =	sadd.s32 $0x400, s20  }
0x34: {  	v2 =	vld.idx.msk [tilespmem:v0+s19+$0x10 ss:$0x1], $0xffff;
	[tilespmem:s20+$0x30] =	vst v7  }
0x35: {  	[tilespmem:s20+$0xFFFFFFC0] =	vst v8;
	v6 =	vld.idx.msk [tilespmem:v0+s19+$0x20 ss:$0x1], $0xffff;
	s19 =	sshra.s32 s21, $0x2;
	s21 =	sadd.s32 $0x200, s21  }
0x36: {  	_ =	sdelay $0x2  }
0x37: {  	[tilespmem:s20+$0xFFFFFFD0] =	vst v5  }
0x38: {  	v56 =	vld.idx.msk [tilespmem:v0+s19+$0x30 ss:$0x1], $0xffff;
	[tilespmem:s20+$0xFFFFFFE0] =	vst v4  }
0x39: {  	v57 =	vld.idx.msk [tilespmem:v0+s19+$0xFFFFFFC0 ss:$0x1], $0xffff;
	[tilespmem:s20+$0xFFFFFFF0] =	vst v3  }
0x3a: {  	v58 =	vld.idx.msk [tilespmem:v0+s19+$0xFFFFFFD0 ss:$0x1], $0xffff;
	[tilespmem:s20+$0x0] =	vst v1  }
0x3b: {  	v59 =	vld.idx.msk [tilespmem:v0+s19+$0xFFFFFFE0 ss:$0x1], $0xffff;
	[tilespmem:s20+$0x10] =	vst v2  }
0x3c: {  	v60 =	vld.idx.msk [tilespmem:v0+s19+$0xFFFFFFF0 ss:$0x1], $0xffff;
	s31 =	sadd.s32 $0x400, s20;
	[tilespmem:s20+$0x20] =	vst v6  }
0x3d: {  	v61 =	vld.idx.msk [tilespmem:v0+s19+$0x0 ss:$0x1], $0xffff;
	[tilespmem:s31+$0x30] =	vst v56  }
0x3e: {  	v62 =	vld.idx.msk [tilespmem:v0+s19+$0x10 ss:$0x1], $0xffff;
	s18 =	sadd.s32 $0x1, s18;
	[tilespmem:s31+$0xFFFFFFC0] =	vst v57  }
0x3f: {  	v63 =	vld.idx.msk [tilespmem:v0+s19+$0x20 ss:$0x1], $0xffff;
	p1 =	sne.s32 s18, $0x8;
	[tilespmem:s31+$0xFFFFFFD0] =	vst v58  }
.Ltmp4:
0x40: {  	[tilespmem:s31+$0xFFFFFFE0] =	vst v59;
	(pc) =	sbr.rel @p1 .LBB1_4-.Ltmp4, $4  }
0x41: {  	[tilespmem:s31+$0xFFFFFFF0] =	vst v60  }
0x42: {  	[tilespmem:s31+$0x0] =	vst v61  }
0x43: {  	[tilespmem:s31+$0x10] =	vst v62  }
0x44: {  	s16 =	sadd.s32 $0x80, s16;
	s17 =	sadd.s32 $0x400, s17;
	[tilespmem:s31+$0x20] =	vst v63  }
.Ltmp5:
0x45: {  	(pc) =	sbr.rel @p0 .LBB1_3-.Ltmp5, $2  }
0x46: {  	_ =	sdelay $0x2  }
0x47: {  	s16 =	simm.s32 $0x2000;
	p1 =	por $0x0, $0x0  }
.Ltmp6:
0x48: {  	(pc) =	sbr.rel .LBB1_9-.Ltmp6, $4  }
0x49: {  	_ = 	snop  }
0x4a: {  	s12 =	sshll.u32 s12, $0xA  }
0x4b: {  	s12 =	sadd.s32 s4, s12  }
0x4c: {  	[hbm4b:s12+s8] =	stream.linear.scatter [tilespmem:s13], [sflag:$0x2], $0x4000, $0x38;
	[tilespmem:$0x10000] =	vst v63  }
.LBB1_10:
0x4d: {  	_ =	sfence.sel $0x180000  }
0x4e: {  	s2 =	simm.s32 $0x1;
	[bflag:$0x0] =	sbarrier.arrive $0xFFFF  }
0x4f: {  	s31 =	simm.s32 $0x2;
	[sflag:s2] =	ssyncpa.u1 $0x1  }
0x50: {  	[sflag:s31] =	ssyncpa.u1 $0x1  }
0x51: {  	p0 =	sne.s32 s0, $0x0;
	_ =	strace $0x90000047  }
0x52: {  	s0 =	sadd.s32 @!p0 $0x100000, s1;
	[bflag:$0x2] =	sbarrier.arrive $0xFFFF  }
0x53: {  	[sflag:s0] =	ssyncadd.tile.s32 @!p0 $0x1;
	_ =	shalt  }
.Lfunc_end1:
_tile_overlayer_lowered:
.L_overlay_start_2:
0x54: {  	(tag) =	ssettag $0x2  }
0x55: {  	s0 =	rddreg [dreg:$0x0];
	s2 =	stileid.u32  }
0x56: {  	s1 =	rddreg [dreg:$0x1];
	p0 =	sne.s32 s2, $0x0  }
0x57: {  	s3 =	rddreg [dreg:$0x2];
	[bflag:$0x3] =	sbarrier.arrive $0xFFFF;
	s2 =	simm.s32 @!p0 $0x1C01  }
0x58: {  	[timem:s3], [sflag:s2] =	dma.local @!p0 [hbm:s0], s1  }
0x59: {  	s0 =	simm.s32 @!p0 $0x1  }
0x5a: {  	_ =	swait.ge @!p0 [sflag:s0], s1  }
0x5b: {  	s1 =	ssub.s32 @!p0 $0x0, s1;
	[sflag:s0] =	ssyncset.done @!p0 $0x0  }
0x5c: {  	[sflag:s0] =	ssyncadd.s32 @!p0 s1  }
0x5d: {  	[bflag:$0x3] =	sbarrier.arrive $0xFFFF  }
0x5e: {  	_ =	shalt  }

</sc_bundles>
